<compile_context>
chip_gen: v7x
topology: tpu7x:2x2x1
jax: 0.10.2.dev20260603
libtpu: 0.0.44.dev20260713+nightly
codegen_flags: <defaults>
</compile_context>

<pallas_src>
import functools

import jax
import jax.numpy as jnp
from jax import lax
from jax.experimental import pallas as pl
from jax.experimental.pallas import tpu as pltpu
from jax.experimental.pallas import tpu_sc as plsc

B, N, D = 4, 4096, 1024
BN = 256
BI = 512
BJ = 512

NC, NS = 2, 16
NW = NC * NS
RPT = (B * N) // NW
CH = 64


def _mm_body(x_ref, w_ref, b_ref, y_ref):
    xb = x_ref[...]
    xm = xb.reshape(B * BN, D)
    acc = lax.dot_general(
        xm, w_ref[...],
        dimension_numbers=(((1,), (1,)), ((), ())),
        preferred_element_type=jnp.float32,
    )
    y_ref[...] = (acc + b_ref[...]).reshape(B, BN, D)


def _rank_body(keys_ref, dest_ref):
    g = pl.program_id(0)
    ki = keys_ref[:, pl.ds(g * BI, BI)]
    kie = ki[:, :, None]

    def below(jc, acc):
        kj = keys_ref[:, pl.ds(jc * BJ, BJ)]
        return acc + jnp.sum((kj[:, None, :] <= kie).astype(jnp.int32), -1)

    def above(jc, acc):
        kj = keys_ref[:, pl.ds(jc * BJ, BJ)]
        return acc + jnp.sum((kj[:, None, :] < kie).astype(jnp.int32), -1)

    acc = lax.fori_loop(0, g, below, jnp.zeros((B, BI), jnp.int32))
    acc = lax.fori_loop(g + 1, N // BJ, above, acc)

    kd = keys_ref[:, pl.ds(g * BJ, BJ)][:, None, :]
    tri = (lax.broadcasted_iota(jnp.int32, (B, BI, BJ), 2)
           < lax.broadcasted_iota(jnp.int32, (B, BI, BJ), 1))
    diag = (kd < kie) | ((kd == kie) & tri)
    acc = acc + jnp.sum(diag.astype(jnp.int32), -1)

    b_base = N * lax.broadcasted_iota(jnp.int32, (B, BI), 0)
    dest_ref[...] = acc + b_base


def _sc_gather_body(y_hbm, dest_hbm, out_hbm, dest_v, src_v, rows_v, sem):
    wid = lax.axis_index("s") * NC + lax.axis_index("c")
    base = wid * RPT

    pltpu.sync_copy(dest_hbm, dest_v)

    def build(jc, carry):
        dvec = dest_v[pl.ds(jc * 16, 16)]
        jvec = jc * 16 + lax.broadcasted_iota(jnp.int32, (16,), 0)
        m = (dvec >= base) & (dvec < base + RPT)
        plsc.store_scatter(src_v, [dvec - base], jvec, mask=m)
        return carry

    lax.fori_loop(0, (B * N) // 16, build, 0)

    def chunk(c, carry):
        idx = src_v.at[pl.ds(c * CH, CH)]
        pltpu.async_copy(y_hbm.at[idx], rows_v, sem).wait()
        pltpu.sync_copy(rows_v, out_hbm.at[pl.ds(base + c * CH, CH)])
        return carry

    lax.fori_loop(0, RPT // CH, chunk, 0)


def _sc_permute(y2, dest):
    mesh = plsc.VectorSubcoreMesh(core_axis_name="c", subcore_axis_name="s")
    kfn = functools.partial(
        pl.kernel,
        mesh=mesh,
        out_type=jax.ShapeDtypeStruct((B * N, D), jnp.float32),
        scratch_types=[
            pltpu.VMEM((B * N,), jnp.int32),
            pltpu.VMEM((RPT,), jnp.int32),
            pltpu.VMEM((CH, D), jnp.float32),
            pltpu.SemaphoreType.DMA,
        ],
        compiler_params=pltpu.CompilerParams(needs_layout_passes=False),
    )(_sc_gather_body)
    return kfn(y2, dest)


def kernel(x, W, b):
    keys = x[..., 0] + x.sum(axis=-1)

    y = pl.pallas_call(
        _mm_body,
        grid=(N // BN,),
        in_specs=[
            pl.BlockSpec((B, BN, D), lambda g: (0, g, 0)),
            pl.BlockSpec((D, D), lambda g: (0, 0)),
            pl.BlockSpec((1, D), lambda g: (0, 0)),
        ],
        out_specs=pl.BlockSpec((B, BN, D), lambda g: (0, g, 0)),
        out_shape=jax.ShapeDtypeStruct((B, N, D), jnp.float32),
    )(x, W, b.reshape(1, D))

    dest = pl.pallas_call(
        _rank_body,
        grid=(N // BI,),
        in_specs=[pl.BlockSpec((B, N), lambda g: (0, 0))],
        out_specs=pl.BlockSpec((B, BI), lambda g: (0, g)),
        out_shape=jax.ShapeDtypeStruct((B, N), jnp.int32),
    )(keys)

    out2 = _sc_permute(y.reshape(B * N, D), dest.reshape(B * N))
    return out2.reshape(B, N, D)

# --- scband reference (transcript-rebuilt; emitter-appended) ---
"""Pipeline reference for scband-canonical-model-46213848106046 (READ-ONLY COPY).

The authoritative reference and input builder live on the scoring server;
editing this copy changes nothing except your own understanding.
"""

import jax, jax.numpy as jnp
import numpy as np

B, N, D = 4, 4096, 1024

def setup_inputs(seed: int = 0) -> dict:
    key = jax.random.key(seed)
    k1, k2 = jax.random.split(key)
    x = jax.random.normal(k1, (B, N, D), dtype=jnp.float32)
    # Learned params of the inner model (nn.Linear(D, D)): weight [out,in], bias [out]
    W = jax.random.normal(k2, (D, D), dtype=jnp.float32) * 0.02
    b = jnp.zeros((D,), dtype=jnp.float32)
    return {"x": x, "W": W, "b": b}

def reference(x, W, b):
    # canonize: sort rows of each batch element by (x[...,0] + x.sum(-1))
    sort_key = x[..., 0] + x.sum(axis=-1)          # (B, N)
    row_idx = jnp.argsort(sort_key, axis=-1)        # (B, N)
    x_sorted = jnp.take_along_axis(x, row_idx[..., None], axis=1)  # (B, N, D) gather
    # inner model: nn.Linear(D, D) -> x @ W.T + b
    out = x_sorted @ W.T + b
    return out

if __name__ == "__main__":
    import jax
    _d = setup_inputs()
    print(jax.jit(kernel)(*tuple(_d.values())))

</pallas_src>

<mosaic_0001>
#map = affine_map<(d0, d1) -> (0, 0)>
#map1 = affine_map<(d0, d1) -> (0)>
module attributes {stable_mosaic.version = 14 : i64} {
  func.func @_sc_gather_body(%arg0: i32, %arg1: i32, %arg2: memref<16384x1024xf32, #tpu.memory_space<hbm>>, %arg3: memref<16384xi32, #tpu.memory_space<hbm>>, %arg4: memref<16384x1024xf32, #tpu.memory_space<hbm>>, %arg5: memref<16384xi32, #tpu.memory_space<vmem>>, %arg6: memref<512xi32, #tpu.memory_space<vmem>>, %arg7: memref<64x1024xf32, #tpu.memory_space<vmem>>, %arg8: memref<!tpu.dma_semaphore, #tpu.memory_space<semaphore_mem>>) attributes {dimension_semantics = [#tpu.dimension_semantics<core_parallel>, #tpu.dimension_semantics<subcore_parallel>], iteration_bounds = array<i64: 2, 16>, scalar_prefetch = 0 : i64, scratch_operands = 4 : i64, tpu.core_type = #tpu.core_type<sc_vector_subcore>, window_params = [{transform_indices = #map}, {transform_indices = #map1}, {transform_indices = #map}]} {
    %mul3A = arith.constant 2 : i32
    %mul3A_0 = arith.muli %arg1, %mul3A : i32
    %add3A = arith.addi %mul3A_0, %arg0 : i32
    %mul3A_1 = arith.constant 512 : i32
    %mul3A_2 = arith.muli %add3A, %mul3A_1 : i32
    "tpu.region"() ({
      %run_scoped3A = tpu.sem_alloc : memref<!tpu.dma_semaphore, #tpu.memory_space<semaphore_mem>>
      tpu.enqueue_dma source(%arg3 : memref<16384xi32, #tpu.memory_space<hbm>>) target(%arg5 : memref<16384xi32, #tpu.memory_space<vmem>>) target_semaphore(%run_scoped3A : memref<!tpu.dma_semaphore, #tpu.memory_space<semaphore_mem>>)
      tpu.wait_dma2 semaphore(%run_scoped3A : memref<!tpu.dma_semaphore, #tpu.memory_space<semaphore_mem>>) src(%arg3 : memref<16384xi32, #tpu.memory_space<hbm>>) dst(%arg5 : memref<16384xi32, #tpu.memory_space<vmem>>)
      tpu.yield
    }) : () -> ()
    %scan3A = arith.constant 0 : i32
    %scan3A_3 = arith.constant 0 : i32
    %scan3A_4 = arith.constant 1024 : i32
    %scan3A_5 = arith.addi %scan3A_3, %scan3A_4 : i32
    %scan3A_6 = arith.constant 1 : i32
    scf.for %scan3A_14 = %scan3A_3 to %scan3A_5 step %scan3A_6  : i32 {
      %mul3A_15 = arith.constant 16 : i32
      %mul3A_16 = arith.muli %scan3A_14, %mul3A_15 : i32
      %get3A = arith.index_cast %mul3A_16 : i32 to index
      %get3A_17 = tpu.vector_load %arg5[%get3A] {strides = array<i32>} : memref<16384xi32, #tpu.memory_space<vmem>>, vector<16xi32>,
      %mul3A_18 = arith.constant 16 : i32
      %mul3A_19 = arith.muli %scan3A_14, %mul3A_18 : i32
      %iota3A = tpu.iota {dimensions = array<i32: 0>} : vector<16xi32>
      %add3A_20 = vector.broadcast %mul3A_19 : i32 to vector<16xi32>
      %add3A_21 = arith.addi %add3A_20, %iota3A : vector<16xi32>
      %ge3A = vector.broadcast %mul3A_2 : i32 to vector<16xi32>
      %ge3A_22 = arith.cmpi sge, %get3A_17, %ge3A : vector<16xi32>
      %add3A_23 = arith.constant 512 : i32
      %add3A_24 = arith.addi %mul3A_2, %add3A_23 : i32
      %lt3A = vector.broadcast %add3A_24 : i32 to vector<16xi32>
      %lt3A_25 = arith.cmpi slt, %get3A_17, %lt3A : vector<16xi32>
      %and3A = arith.andi %ge3A_22, %lt3A_25 : vector<16xi1>
      %sub3A = vector.broadcast %mul3A_2 : i32 to vector<16xi32>
      %sub3A_26 = arith.subi %get3A_17, %sub3A : vector<16xi32>
      tpu.vector_store_idx %arg6[%sub3A_26], %add3A_21 masked %and3A : memref<512xi32, #tpu.memory_space<vmem>>[vector<16xi32>], vector<16xi32>, vector<16xi1>
    }
    %scan3A_7 = arith.constant 1024 : i32
    %scan3A_8 = arith.constant 0 : i32
    %scan3A_9 = arith.constant 0 : i32
    %scan3A_10 = arith.constant 8 : i32
    %scan3A_11 = arith.addi %scan3A_9, %scan3A_10 : i32
    %scan3A_12 = arith.constant 1 : i32
    scf.for %scan3A_14 = %scan3A_9 to %scan3A_11 step %scan3A_12  : i32 {
      %mul3A_15 = arith.constant 64 : i32
      %mul3A_16 = arith.muli %scan3A_14, %mul3A_15 : i32
      %dma_start3A = tpu.memref_slice %arg6[%mul3A_16] : memref<512xi32, #tpu.memory_space<vmem>> -> memref<64xi32, #tpu.memory_space<vmem>>
      %dma_start3A_17 = arith.constant 0 : i32
      %dma_start3A_18 = arith.constant 0 : i32
      %dma_start3A_19 = tpu.memref_slice %arg2[%dma_start3A_17, %dma_start3A_18] : memref<16384x1024xf32, #tpu.memory_space<hbm>> -> memref<16384x1024xf32, #tpu.memory_space<hbm>>
      tpu.enqueue_indirect_dma source(%dma_start3A_19 : memref<16384x1024xf32, #tpu.memory_space<hbm>>) target(%arg7 : memref<64x1024xf32, #tpu.memory_space<vmem>>) offsets(%dma_start3A : memref<64xi32, #tpu.memory_space<vmem>>) semaphore(%arg8 : memref<!tpu.dma_semaphore, #tpu.memory_space<semaphore_mem>>)
      %dma_wait3A = tpu.memref_slice %arg6[%mul3A_16] : memref<512xi32, #tpu.memory_space<vmem>> -> memref<64xi32, #tpu.memory_space<vmem>>
      %dma_wait3A_20 = arith.constant 0 : i32
      %dma_wait3A_21 = arith.constant 0 : i32
      %dma_wait3A_22 = tpu.memref_slice %arg2[%dma_wait3A_20, %dma_wait3A_21] : memref<16384x1024xf32, #tpu.memory_space<hbm>> -> memref<16384x1024xf32, #tpu.memory_space<hbm>>
      tpu.wait_indirect_dma semaphore(%arg8 : memref<!tpu.dma_semaphore, #tpu.memory_space<semaphore_mem>>) src(%dma_wait3A_22 : memref<16384x1024xf32, #tpu.memory_space<hbm>>) dst(%arg7 : memref<64x1024xf32, #tpu.memory_space<vmem>>)
      %mul3A_23 = arith.constant 64 : i32
      %mul3A_24 = arith.muli %scan3A_14, %mul3A_23 : i32
      %add3A_25 = arith.addi %mul3A_2, %mul3A_24 : i32
      "tpu.region"() ({
        %run_scoped3A = tpu.sem_alloc : memref<!tpu.dma_semaphore, #tpu.memory_space<semaphore_mem>>
        %dma_start3A_26 = arith.constant 0 : i32
        %dma_start3A_27 = tpu.memref_slice %arg4[%add3A_25, %dma_start3A_26] : memref<16384x1024xf32, #tpu.memory_space<hbm>> -> memref<64x1024xf32, #tpu.memory_space<hbm>>
        %dma_start3A_28 = arith.constant 0 : i32
        %dma_start3A_29 = tpu.memref_slice %arg4[%add3A_25, %dma_start3A_28] : memref<16384x1024xf32, #tpu.memory_space<hbm>> -> memref<64x1024xf32, #tpu.memory_space<hbm>>
        tpu.enqueue_dma source(%arg7 : memref<64x1024xf32, #tpu.memory_space<vmem>>) target(%dma_start3A_29 : memref<64x1024xf32, #tpu.memory_space<hbm>>) target_semaphore(%run_scoped3A : memref<!tpu.dma_semaphore, #tpu.memory_space<semaphore_mem>>)
        %dma_wait3A_30 = arith.constant 0 : i32
        %dma_wait3A_31 = tpu.memref_slice %arg4[%add3A_25, %dma_wait3A_30] : memref<16384x1024xf32, #tpu.memory_space<hbm>> -> memref<64x1024xf32, #tpu.memory_space<hbm>>
        %dma_wait3A_32 = arith.constant 0 : i32
        %dma_wait3A_33 = tpu.memref_slice %arg4[%add3A_25, %dma_wait3A_32] : memref<16384x1024xf32, #tpu.memory_space<hbm>> -> memref<64x1024xf32, #tpu.memory_space<hbm>>
        tpu.wait_dma2 semaphore(%run_scoped3A : memref<!tpu.dma_semaphore, #tpu.memory_space<semaphore_mem>>) src(%arg7 : memref<64x1024xf32, #tpu.memory_space<vmem>>) dst(%dma_wait3A_33 : memref<64x1024xf32, #tpu.memory_space<hbm>>)
        tpu.yield
      }) : () -> ()
    }
    %scan3A_13 = arith.constant 8 : i32
    return
  }
}

module attributes {stable_mosaic.version = 14 : i64} {
  func.func @_rank_body(%arg0: i32, %arg1: memref<4x4096xf32, #tpu.memory_space<vmem>>, %arg2: memref<4x512xi32, #tpu.memory_space<vmem>>) attributes {dimension_semantics = [#tpu.dimension_semantics<arbitrary>], iteration_bounds = array<i64: 8>, scalar_prefetch = 0 : i64, scratch_operands = 0 : i64, tpu.core_type = #tpu.core_type<tc>, window_params = [{pipeline_mode = #tpu.pipeline_mode<synchronous>, transform_indices = @transform_0, window_bounds = array<i64: 4, 4096>}, {transform_indices = @transform_1, window_bounds = array<i64: 4, 512>}]} {
    %mul3A = arith.constant 512 : i32
    %mul3A_0 = arith.muli %arg0, %mul3A : i32
    %get3A = arith.constant 0 : index
    %get3A_1 = arith.index_cast %mul3A_0 : i32 to index
    %get3A_2 = vector.load %arg1[%get3A, %get3A_1] : memref<4x4096xf32, #tpu.memory_space<vmem>>, vector<4x512xf32>
    %broadcast_in_dim3A = vector.shape_cast %get3A_2 : vector<4x512xf32> to vector<4x512x1xf32>
    %broadcast_in_dim3A_3 = arith.constant 0 : i32
    %broadcast_in_dim3A_4 = vector.broadcast %broadcast_in_dim3A_3 : i32 to vector<4x512xi32>
    %while3A = arith.constant 0 : i32
    %while3A_5 = arith.subi %arg0, %while3A : i32
    %while3A_6 = arith.addi %while3A, %while3A_5 : i32
    %while3A_7 = arith.constant 1 : i32
    %while3A_8 = arith.divsi %while3A_5, %while3A_7 : i32
    %while3A_9 = arith.muli %while3A_8, %while3A_7 : i32
    %while3A_10 = arith.addi %while3A, %while3A_9 : i32
    %while3A_11 = arith.constant 1 : i32
    %while3A_12 = scf.for %while3A_48 = %while3A to %while3A_10 step %while3A_11 iter_args(%while3A_49 = %broadcast_in_dim3A_4) -> (vector<4x512xi32>)  : i32 {
      %mul3A_50 = arith.constant 512 : i32
      %mul3A_51 = arith.muli %while3A_48, %mul3A_50 : i32
      %get3A_52 = arith.constant 0 : index
      %get3A_53 = arith.index_cast %mul3A_51 : i32 to index
      %get3A_54 = vector.load %arg1[%get3A_52, %get3A_53] : memref<4x4096xf32, #tpu.memory_space<vmem>>, vector<4x512xf32>
      %broadcast_in_dim3A_55 = vector.shape_cast %get3A_54 : vector<4x512xf32> to vector<4x1x512xf32>
      %le3A = vector.broadcast %broadcast_in_dim3A_55 : vector<4x1x512xf32> to vector<4x512x512xf32>
      %le3A_56 = vector.broadcast %broadcast_in_dim3A : vector<4x512x1xf32> to vector<4x512x512xf32>
      %le3A_57 = arith.cmpf ole, %le3A, %le3A_56 : vector<4x512x512xf32>
      %convert_element_type3A_58 = arith.extui %le3A_57 : vector<4x512x512xi1> to vector<4x512x512xi32>
      %reduce_sum3A_59 = arith.constant dense<0> : vector<4x512xi32>
      %reduce_sum3A_60 = vector.multi_reduction <add>, %convert_element_type3A_58, %reduce_sum3A_59 [2] : vector<4x512x512xi32> to vector<4x512xi32>
      %add3A_61 = arith.addi %while3A_49, %reduce_sum3A_60 : vector<4x512xi32>
      scf.yield %add3A_61 : vector<4x512xi32>
    }
    %while3A_13 = arith.constant 1 : i32
    %while3A_14 = scf.for %while3A_48 = %while3A_10 to %while3A_6 step %while3A_13 iter_args(%while3A_49 = %while3A_12) -> (vector<4x512xi32>)  : i32 {
      %mul3A_50 = arith.constant 512 : i32
      %mul3A_51 = arith.muli %while3A_48, %mul3A_50 : i32
      %get3A_52 = arith.constant 0 : index
      %get3A_53 = arith.index_cast %mul3A_51 : i32 to index
      %get3A_54 = vector.load %arg1[%get3A_52, %get3A_53] : memref<4x4096xf32, #tpu.memory_space<vmem>>, vector<4x512xf32>
      %broadcast_in_dim3A_55 = vector.shape_cast %get3A_54 : vector<4x512xf32> to vector<4x1x512xf32>
      %le3A = vector.broadcast %broadcast_in_dim3A_55 : vector<4x1x512xf32> to vector<4x512x512xf32>
      %le3A_56 = vector.broadcast %broadcast_in_dim3A : vector<4x512x1xf32> to vector<4x512x512xf32>
      %le3A_57 = arith.cmpf ole, %le3A, %le3A_56 : vector<4x512x512xf32>
      %convert_element_type3A_58 = arith.extui %le3A_57 : vector<4x512x512xi1> to vector<4x512x512xi32>
      %reduce_sum3A_59 = arith.constant dense<0> : vector<4x512xi32>
      %reduce_sum3A_60 = vector.multi_reduction <add>, %convert_element_type3A_58, %reduce_sum3A_59 [2] : vector<4x512x512xi32> to vector<4x512xi32>
      %add3A_61 = arith.addi %while3A_49, %reduce_sum3A_60 : vector<4x512xi32>
      scf.yield %add3A_61 : vector<4x512xi32>
    }
    %add3A = arith.constant 1 : i32
    %add3A_15 = arith.addi %arg0, %add3A : i32
    %while3A_16 = arith.constant 8 : i32
    %while3A_17 = arith.subi %while3A_16, %add3A_15 : i32
    %while3A_18 = arith.addi %add3A_15, %while3A_17 : i32
    %while3A_19 = arith.constant 1 : i32
    %while3A_20 = arith.divsi %while3A_17, %while3A_19 : i32
    %while3A_21 = arith.muli %while3A_20, %while3A_19 : i32
    %while3A_22 = arith.addi %add3A_15, %while3A_21 : i32
    %while3A_23 = arith.constant 1 : i32
    %while3A_24 = scf.for %while3A_48 = %add3A_15 to %while3A_22 step %while3A_23 iter_args(%while3A_49 = %while3A_14) -> (vector<4x512xi32>)  : i32 {
      %mul3A_50 = arith.constant 512 : i32
      %mul3A_51 = arith.muli %while3A_48, %mul3A_50 : i32
      %get3A_52 = arith.constant 0 : index
      %get3A_53 = arith.index_cast %mul3A_51 : i32 to index
      %get3A_54 = vector.load %arg1[%get3A_52, %get3A_53] : memref<4x4096xf32, #tpu.memory_space<vmem>>, vector<4x512xf32>
      %broadcast_in_dim3A_55 = vector.shape_cast %get3A_54 : vector<4x512xf32> to vector<4x1x512xf32>
      %lt3A_56 = vector.broadcast %broadcast_in_dim3A_55 : vector<4x1x512xf32> to vector<4x512x512xf32>
      %lt3A_57 = vector.broadcast %broadcast_in_dim3A : vector<4x512x1xf32> to vector<4x512x512xf32>
      %lt3A_58 = arith.cmpf olt, %lt3A_56, %lt3A_57 : vector<4x512x512xf32>
      %convert_element_type3A_59 = arith.extui %lt3A_58 : vector<4x512x512xi1> to vector<4x512x512xi32>
      %reduce_sum3A_60 = arith.constant dense<0> : vector<4x512xi32>
      %reduce_sum3A_61 = vector.multi_reduction <add>, %convert_element_type3A_59, %reduce_sum3A_60 [2] : vector<4x512x512xi32> to vector<4x512xi32>
      %add3A_62 = arith.addi %while3A_49, %reduce_sum3A_61 : vector<4x512xi32>
      scf.yield %add3A_62 : vector<4x512xi32>
    }
    %while3A_25 = arith.constant 1 : i32
    %while3A_26 = scf.for %while3A_48 = %while3A_22 to %while3A_18 step %while3A_25 iter_args(%while3A_49 = %while3A_24) -> (vector<4x512xi32>)  : i32 {
      %mul3A_50 = arith.constant 512 : i32
      %mul3A_51 = arith.muli %while3A_48, %mul3A_50 : i32
      %get3A_52 = arith.constant 0 : index
      %get3A_53 = arith.index_cast %mul3A_51 : i32 to index
      %get3A_54 = vector.load %arg1[%get3A_52, %get3A_53] : memref<4x4096xf32, #tpu.memory_space<vmem>>, vector<4x512xf32>
      %broadcast_in_dim3A_55 = vector.shape_cast %get3A_54 : vector<4x512xf32> to vector<4x1x512xf32>
      %lt3A_56 = vector.broadcast %broadcast_in_dim3A_55 : vector<4x1x512xf32> to vector<4x512x512xf32>
      %lt3A_57 = vector.broadcast %broadcast_in_dim3A : vector<4x512x1xf32> to vector<4x512x512xf32>
      %lt3A_58 = arith.cmpf olt, %lt3A_56, %lt3A_57 : vector<4x512x512xf32>
      %convert_element_type3A_59 = arith.extui %lt3A_58 : vector<4x512x512xi1> to vector<4x512x512xi32>
      %reduce_sum3A_60 = arith.constant dense<0> : vector<4x512xi32>
      %reduce_sum3A_61 = vector.multi_reduction <add>, %convert_element_type3A_59, %reduce_sum3A_60 [2] : vector<4x512x512xi32> to vector<4x512xi32>
      %add3A_62 = arith.addi %while3A_49, %reduce_sum3A_61 : vector<4x512xi32>
      scf.yield %add3A_62 : vector<4x512xi32>
    }
    %mul3A_27 = arith.constant 512 : i32
    %mul3A_28 = arith.muli %arg0, %mul3A_27 : i32
    %get3A_29 = arith.constant 0 : index
    %get3A_30 = arith.index_cast %mul3A_28 : i32 to index
    %get3A_31 = vector.load %arg1[%get3A_29, %get3A_30] : memref<4x4096xf32, #tpu.memory_space<vmem>>, vector<4x512xf32>
    %broadcast_in_dim3A_32 = vector.shape_cast %get3A_31 : vector<4x512xf32> to vector<4x1x512xf32>
    %iota3A = tpu.iota {dimensions = array<i32: 2>} : vector<4x512x512xi32>
    %iota3A_33 = tpu.iota {dimensions = array<i32: 1>} : vector<4x512x512xi32>
    %lt3A = arith.cmpi slt, %iota3A, %iota3A_33 : vector<4x512x512xi32>
    %lt3A_34 = vector.broadcast %broadcast_in_dim3A_32 : vector<4x1x512xf32> to vector<4x512x512xf32>
    %lt3A_35 = vector.broadcast %broadcast_in_dim3A : vector<4x512x1xf32> to vector<4x512x512xf32>
    %lt3A_36 = arith.cmpf olt, %lt3A_34, %lt3A_35 : vector<4x512x512xf32>
    %eq3A = vector.broadcast %broadcast_in_dim3A_32 : vector<4x1x512xf32> to vector<4x512x512xf32>
    %eq3A_37 = vector.broadcast %broadcast_in_dim3A : vector<4x512x1xf32> to vector<4x512x512xf32>
    %eq3A_38 = arith.cmpf oeq, %eq3A, %eq3A_37 : vector<4x512x512xf32>
    %and3A = arith.andi %eq3A_38, %lt3A : vector<4x512x512xi1>
    %or3A = arith.ori %lt3A_36, %and3A : vector<4x512x512xi1>
    %convert_element_type3A = arith.extui %or3A : vector<4x512x512xi1> to vector<4x512x512xi32>
    %reduce_sum3A = arith.constant dense<0> : vector<4x512xi32>
    %reduce_sum3A_39 = vector.multi_reduction <add>, %convert_element_type3A, %reduce_sum3A [2] : vector<4x512x512xi32> to vector<4x512xi32>
    %add3A_40 = arith.addi %while3A_26, %reduce_sum3A_39 : vector<4x512xi32>
    %iota3A_41 = tpu.iota {dimensions = array<i32: 0>} : vector<4x512xi32>
    %mul3A_42 = arith.constant 4096 : i32
    %mul3A_43 = vector.broadcast %mul3A_42 : i32 to vector<4x512xi32>
    %mul3A_44 = arith.muli %mul3A_43, %iota3A_41 : vector<4x512xi32>
    %add3A_45 = arith.addi %add3A_40, %mul3A_44 : vector<4x512xi32>
    %swap3A = arith.constant 0 : index
    %swap3A_46 = arith.constant 0 : index
    %swap3A_47 = vector.load %arg2[%swap3A, %swap3A_46] : memref<4x512xi32, #tpu.memory_space<vmem>>, vector<4x512xi32>
    tpu.vector_store %arg2[%swap3A, %swap3A_46], %add3A_45 {strides = array<i32>} : memref<4x512xi32, #tpu.memory_space<vmem>>, vector<4x512xi32>,
    return
  }
  func.func @transform_0(%arg0: i32) -> (i32, i32) {
    %c0_i32 = arith.constant 0 : i32
    %c0_i32_0 = arith.constant 0 : i32
    %c0_i32_1 = arith.constant 0 : i32
    return %c0_i32, %c0_i32_0 : i32, i32
  }
  func.func @transform_1(%arg0: i32) -> (i32, i32) {
    %c0_i32 = arith.constant 0 : i32
    %c0_i32_0 = arith.constant 0 : i32
    return %c0_i32, %arg0 : i32, i32
  }
}

module attributes {stable_mosaic.version = 14 : i64} {
  func.func @_mm_body(%arg0: i32, %arg1: memref<4x256x1024xf32, #tpu.memory_space<vmem>>, %arg2: memref<1024x1024xf32, #tpu.memory_space<vmem>>, %arg3: memref<1x1024xf32, #tpu.memory_space<vmem>>, %arg4: memref<4x256x1024xf32, #tpu.memory_space<vmem>>) attributes {dimension_semantics = [#tpu.dimension_semantics<arbitrary>], iteration_bounds = array<i64: 16>, scalar_prefetch = 0 : i64, scratch_operands = 0 : i64, tpu.core_type = #tpu.core_type<tc>, window_params = [{transform_indices = @transform_0, window_bounds = array<i64: 4, 256, 1024>}, {pipeline_mode = #tpu.pipeline_mode<synchronous>, transform_indices = @transform_1, window_bounds = array<i64: 1024, 1024>}, {pipeline_mode = #tpu.pipeline_mode<synchronous>, transform_indices = @transform_2, window_bounds = array<i64: 1, 1024>}, {transform_indices = @transform_3, window_bounds = array<i64: 4, 256, 1024>}]} {
    %get3A = arith.constant 0 : index
    %get3A_0 = arith.constant 0 : index
    %get3A_1 = arith.constant 0 : index
    %get3A_2 = vector.load %arg1[%get3A, %get3A_0, %get3A_1] : memref<4x256x1024xf32, #tpu.memory_space<vmem>>, vector<4x256x1024xf32>
    %reshape3A = vector.shape_cast %get3A_2 : vector<4x256x1024xf32> to vector<1024x1024xf32>
    %get3A_3 = arith.constant 0 : index
    %get3A_4 = arith.constant 0 : index
    %get3A_5 = vector.load %arg2[%get3A_3, %get3A_4] : memref<1024x1024xf32, #tpu.memory_space<vmem>>, vector<1024x1024xf32>
    %dot_general3A = arith.constant dense<0.000000e+00> : vector<1024x1024xf32>
    %dot_general3A_6 = tpu.matmul %reshape3A, %get3A_5, %dot_general3A {dimension_numbers = #tpu.dot_dimension_numbers<[1], [1], [0], [0], [0, 0, 1, 0], [], []>, transpose_lhs_hint = false} : vector<1024x1024xf32>, vector<1024x1024xf32>, vector<1024x1024xf32> -> vector<1024x1024xf32>
    %get3A_7 = arith.constant 0 : index
    %get3A_8 = arith.constant 0 : index
    %get3A_9 = vector.load %arg3[%get3A_7, %get3A_8] : memref<1x1024xf32, #tpu.memory_space<vmem>>, vector<1x1024xf32>
    %add3A = vector.broadcast %get3A_9 : vector<1x1024xf32> to vector<1024x1024xf32>
    %add3A_10 = arith.addf %dot_general3A_6, %add3A : vector<1024x1024xf32>
    %reshape3A_11 = vector.shape_cast %add3A_10 : vector<1024x1024xf32> to vector<4x256x1024xf32>
    %swap3A = arith.constant 0 : index
    %swap3A_12 = arith.constant 0 : index
    %swap3A_13 = arith.constant 0 : index
    %swap3A_14 = vector.load %arg4[%swap3A, %swap3A_12, %swap3A_13] : memref<4x256x1024xf32, #tpu.memory_space<vmem>>, vector<4x256x1024xf32>
    tpu.vector_store %arg4[%swap3A, %swap3A_12, %swap3A_13], %reshape3A_11 {strides = array<i32>} : memref<4x256x1024xf32, #tpu.memory_space<vmem>>, vector<4x256x1024xf32>,
    return
  }
  func.func @transform_0(%arg0: i32) -> (i32, i32, i32) {
    %c0_i32 = arith.constant 0 : i32
    %c0_i32_0 = arith.constant 0 : i32
    %c0_i32_1 = arith.constant 0 : i32
    return %c0_i32, %arg0, %c0_i32_0 : i32, i32, i32
  }
  func.func @transform_1(%arg0: i32) -> (i32, i32) {
    %c0_i32 = arith.constant 0 : i32
    %c0_i32_0 = arith.constant 0 : i32
    %c0_i32_1 = arith.constant 0 : i32
    return %c0_i32, %c0_i32_0 : i32, i32
  }
  func.func @transform_2(%arg0: i32) -> (i32, i32) {
    %c0_i32 = arith.constant 0 : i32
    %c0_i32_0 = arith.constant 0 : i32
    %c0_i32_1 = arith.constant 0 : i32
    return %c0_i32, %c0_i32_0 : i32, i32
  }
  func.func @transform_3(%arg0: i32) -> (i32, i32, i32) {
    %c0_i32 = arith.constant 0 : i32
    %c0_i32_0 = arith.constant 0 : i32
    %c0_i32_1 = arith.constant 0 : i32
    return %c0_i32, %arg0, %c0_i32_0 : i32, i32, i32
  }
}

</mosaic_0001>

<sc_bundles>
// kernel: kernel.5.cloned.1.call-start
scs
__scs_entry_jumppad:
0x0: {  	(pc) =	sbr.rel $0x88, $3  }
0x1: {  	(tag) =	ssettag $0x0;
	lr =	simm.s32 $0x1  }
0x2: {  	[smem:$0x3F9E] =	sst lr;
	_ =	strace $0xD0000000  }
0x3: {  	_ = 	snop  }
0x4: {  	_ = 	snop  }
0x5: {  	_ = 	snop  }
0x6: {  	_ = 	snop  }
0x7: {  	_ = 	snop  }
__scs_overlays_trampoline_lowered:
0x8: {  	[smem:$0x3FAD] =	sst s0  }
0x9: {  	[smem:$0x3FAE] =	sst s1  }
0xa: {  	[smem:$0x3FAF] =	sst s2  }
0xb: {  	[smem:$0x3FB0] =	sst s3  }
0xc: {  	[smem:$0x3FB1] =	sst s4  }
0xd: {  	[smem:$0x3FB2] =	sst s5  }
0xe: {  	[smem:$0x3FB3] =	sst s6  }
0xf: {  	[smem:$0x3FB4] =	sst s7  }
0x10: {  	[smem:$0x3FB5] =	sst s8  }
0x11: {  	[smem:$0x3FB6] =	sst s9;
	s0 =	simm.s32 @!p0 $0x0  }
0x12: {  	s1 =	sld [smem:$0x3F9C];
	s0 =	simm.s32 @p0 $0x1  }
0x13: {  	[smem:$0x3FB7] =	sst s0;
	s0 =	simm.s32 @!p1 $0x0  }
0x14: {  	s2 =	sld [smem:$0x3F9B];
	s0 =	simm.s32 @p1 $0x1  }
0x15: {  	[smem:$0x3FB8] =	sst s0;
	s0 =	simm.s32 @!p2 $0x0  }
0x16: {  	s3 =	sld [smem:$0x3FDB];
	s0 =	simm.s32 @p2 $0x1  }
0x17: {  	s4 =	simm.s32 $0x1BF5;
	[smem:$0x3FBA] =	sst s0  }
0x18: {  	s0 =	sld [smem:$0x3F9D];
	_ =	swait.ge [sflag:s4], $0x0  }
0x19: {  	s7 =	sld [smem:$0x3F9E]  }
0x1a: {  	s8 =	sadd.s32 $0xFFFFE003, lr  }
0x1b: {  	s9 =	sadd.s32 $0xFFFFFEF7, lr;
	s5 =	simm.s32 $0xFFFFFFFF;
	p2 =	slt.u32 s8, $0xFFFFF086  }
0x1c: {  	p1 =	slt.u32 s9, $0xF7A;
	s5 =	simm.s32 @!p2 $0x0  }
0x1d: {  	s5 =	simm.s32 @p1 $0x1;
	p0 =	seq.s32 s7, s2  }
0x1e: {  	s7 =	smul.u32 @!p0 $0xF7A, s2;
	p2 =	seq.s32 @!p0 s5, $0x0  }
0x1f: {  	s9 =	smul.u32 $0xF7A, s1;
	s8 =	simm.s32 @!p0 $0x1BF5;
	p2 =	por !p2, p0  }
0x20: {  	[sflag:s8] =	ssyncset.s32 @!p0 $0xFFFFF086;
	s6 =	sadd.s32 @!p0 s3, s7;
	s7 =	simm.s32 @!p0 $0x108  }
0x21: {  	s3 =	sadd.s32 s3, s9;
	s6 =	sadd.s32 @!p0 $0x88, s6;
	s7 =	simm.s32 @p2 $0x1082  }
0x22: {  	[simem:s7], [sflag:s8] =	dma.local @!p0 [hbm:s6], $0xF7A  }
0x23: {  	s9 =	sor.u32 $0xD0000000, s2;
	s6 =	simm.s32 $0x108;
	_ =	swait.ge @!p0 [sflag:s8], $0x0  }
0x24: {  	s3 =	sadd.s32 $0x88, s3;
	s6 =	simm.s32 @!p1 $0x1082;
	[sflag:s4] =	ssyncset.s32 $0xFFFFF086  }
0x25: {  	[simem:s6], [sflag:s4] =	dma.local [hbm:s3], $0xF7A  }
0x26: {  	[smem:$0x3F9E] =	sst s1;
	(tag) =	ssettag s2;
	_ =	strace s9  }
0x27: {  	s1 =	sld [smem:$0x3FAE]  }
0x28: {  	s2 =	sld [smem:$0x3FAF]  }
0x29: {  	s4 =	sld [smem:$0x3FB1]  }
0x2a: {  	p0 =	seq.s32 s5, $0x0;
	s5 =	sld [smem:$0x3FB2]  }
0x2b: {  	s6 =	sld [smem:$0x3FB3]  }
0x2c: {  	s7 =	sld [smem:$0x3FB4]  }
0x2d: {  	s3 =	simm.s32 $0x108;
	s8 =	sld [smem:$0x3FB5]  }
0x2e: {  	s3 =	simm.s32 @!p0 $0x1082;
	s9 =	sld [smem:$0x3FB6]  }
0x2f: {  	lr =	sadd.s32 s0, s3;
	s0 =	sld [smem:$0x3FAD]  }
0x30: {  	s3 =	sld [smem:$0x3FB0]  }
0x31: {  	[smem:$0x3FB9] =	sst s10  }
0x32: {  	s10 =	sld [smem:$0x3FB7];
	_ =	sdelay $0x3  }
0x33: {  	p0 =	seq.s32 s10, $0x1;
	s10 =	sld [smem:$0x3FB9];
	_ =	sdelay $0x3  }
0x34: {  	[smem:$0x3FB9] =	sst s10  }
0x35: {  	s10 =	sld [smem:$0x3FB8];
	_ =	sdelay $0x3  }
0x36: {  	p1 =	seq.s32 s10, $0x1;
	s10 =	sld [smem:$0x3FB9];
	_ =	sdelay $0x3  }
0x37: {  	[smem:$0x3FB9] =	sst s10  }
0x38: {  	s10 =	sld [smem:$0x3FBA]  }
0x39: {  	_ = 	snop;
	(pc) =	sbr.ind lr, $3  }
0x3a: {  	_ = 	snop  }
0x3b: {  	_ = 	snop  }
0x3c: {  	p2 =	seq.s32 s10, $0x1;
	s10 =	sld [smem:$0x3FB9]  }
0x3d: {  	_ =	shalt  }
0x3e: {  	_ =	shalt  }
0x3f: {  	_ =	shalt  }
0x40: {  	_ =	shalt  }
0x41: {  	_ =	shalt  }
0x42: {  	_ =	shalt  }
0x43: {  	_ =	shalt  }
0x44: {  	_ =	shalt  }
0x45: {  	_ =	shalt  }
0x46: {  	_ =	shalt  }
0x47: {  	_ =	shalt  }
0x48: {  	_ =	shalt  }
0x49: {  	_ =	shalt  }
0x4a: {  	_ =	shalt  }
0x4b: {  	_ =	shalt  }
0x4c: {  	_ =	shalt  }
0x4d: {  	_ =	shalt  }
0x4e: {  	_ =	shalt  }
0x4f: {  	_ =	shalt  }
0x50: {  	_ =	shalt  }
0x51: {  	_ =	shalt  }
0x52: {  	_ =	shalt  }
0x53: {  	_ =	shalt  }
0x54: {  	_ =	shalt  }
0x55: {  	_ =	shalt  }
0x56: {  	_ =	shalt  }
0x57: {  	_ =	shalt  }
0x58: {  	_ =	shalt  }
0x59: {  	_ =	shalt  }
0x5a: {  	_ =	shalt  }
0x5b: {  	_ =	shalt  }
0x5c: {  	_ =	shalt  }
0x5d: {  	_ =	shalt  }
0x5e: {  	_ =	shalt  }
0x5f: {  	_ =	shalt  }
0x60: {  	_ =	shalt  }
0x61: {  	_ =	shalt  }
0x62: {  	_ =	shalt  }
0x63: {  	_ =	shalt  }
0x64: {  	_ =	shalt  }
0x65: {  	_ =	shalt  }
0x66: {  	_ =	shalt  }
0x67: {  	_ =	shalt  }
0x68: {  	_ =	shalt  }
0x69: {  	_ =	shalt  }
0x6a: {  	_ =	shalt  }
0x6b: {  	_ =	shalt  }
0x6c: {  	_ =	shalt  }
0x6d: {  	_ =	shalt  }
0x6e: {  	_ =	shalt  }
0x6f: {  	_ =	shalt  }
0x70: {  	_ =	shalt  }
0x71: {  	_ =	shalt  }
0x72: {  	_ =	shalt  }
0x73: {  	_ =	shalt  }
0x74: {  	_ =	shalt  }
0x75: {  	_ =	shalt  }
0x76: {  	_ =	shalt  }
0x77: {  	_ =	shalt  }
0x78: {  	_ =	shalt  }
0x79: {  	_ =	shalt  }
0x7a: {  	_ =	shalt  }
0x7b: {  	_ =	shalt  }
0x7c: {  	_ =	shalt  }
0x7d: {  	_ =	shalt  }
0x7e: {  	_ =	shalt  }
0x7f: {  	_ =	shalt  }
0x80: {  	_ =	shalt  }
0x81: {  	_ =	shalt  }
0x82: {  	_ =	shalt  }
0x83: {  	_ =	shalt  }
0x84: {  	_ =	shalt  }
0x85: {  	_ =	shalt  }
0x86: {  	_ =	shalt  }
0x87: {  	_ =	shalt  }
.Lfunc_end0:
.L_simem_size_0:
called_computation_lowered:
.L_overlay_start_0:
0x88: {  	s2 =	sld [smem:$0x3FD9]  }
0x89: {  	s3 =	sld [smem:$0x3FFE];
	_ =	sdelay $0x1  }
0x8a: {  	s1 =	srdreg.scid  }
0x8b: {  	s0 =	sand.u32 $0x1, s1  }
0x8c: {  	s17 =	sshll.u32 s0, $0xA;
	s2 =	sadd.s32 s3, s2  }
0x8d: {  	s2 =	sadd.s32 s2, s17  }
0x8e: {  	[smem:$0x3FC5] =	sst s2  }
0x8f: {  	_ = 	snop  }
0x90: {  	s2 =	sld [smem:$0x3FD0];
	(tm) =	ssettm $0x1  }
0x91: {  	s18 =	sld [smem:$0x3FFB];
	_ =	sdelay $0x3  }
0x92: {  	_ =	strace s18  }
0x93: {  	s3 =	sld [smem:$0x3FFC];
	_ =	sdelay $0x3  }
0x94: {  	_ =	strace s3  }
0x95: {  	s3 =	sld [smem:$0x3FFD];
	_ =	sdelay $0x3  }
0x96: {  	_ =	strace s3  }
0x97: {  	_ =	strace $0x8FFFFFFF  }
0x98: {  	s19 =	sld [smem:$0x3FDB];
	_ =	sdelay $0x1  }
0x99: {  	s4 =	simm.s32 $_scs_section_size  }
0x9a: {  	s5 =	simm.s32 $_size__tile_overlayer_lowered;
	s6 =	simm.s32 $_tile_overlayer_lowered  }
0x9b: {  	s22 =	simm.s32 $0x1BFF;
	s21 =	sshll.u32 s6, $0x1;
	s3 =	sadd.s32 s4, s19  }
0x9c: {  	s7 =	simm.s32 $0x0;
	s20 =	sshll.u32 s5, $0x1;
	s5 =	sadd.s32 s21, s3  }
0x9d: {  	[timem:s7], [sflag:s22] =	dma.local [hbm:s5], s20  }
0x9e: {  	_ =	swait.ge [sflag:s22], s20  }
0x9f: {  	s4 =	ssub.s32 $0x0, s20;
	[sflag:s22] =	ssyncset.done $0x0  }
0xa0: {  	[sflag:s22] =	ssyncadd.s32 s4;
	_ =	sdelay $0x1  }
0xa1: {  	s23 =	simm.s32 $0x1B8B  }
0xa2: {  	_ =	swait.ge [sflag:s23], $0x1  }
0xa3: {  	[sflag:s23] =	ssyncset.done $0x0  }
0xa4: {  	s25 =	simm.s32 $0x1B8E;
	s24 =	sld [smem:$0x3FFE];
	[sflag:s23] =	ssyncadd.s32 $0xFFFFFFFF  }
0xa5: {  	s26 =	simm.s32 $execute0_lowered;
	[smem:$0x3FD2] =	sst s25  }
0xa6: {  	s5 =	sshll.u32 s26, $0x1;
	_ =	strace $0x80000046;
	[dreg:$0x1] =	wrdreg $0xFFFFFFFF  }
0xa7: {  	s28 =	simm.s32 $_size_execute0_lowered;
	s3 =	sadd.s32 s3, s5;
	[dreg:$0x0] =	wrdreg $0x0  }
0xa8: {  	s5 =	sshll.u32 s28, $0x1;
	[dreg:$0x2] =	wrdreg s3  }
0xa9: {  	[dreg:$0x3] =	wrdreg s5  }
0xaa: {  	[dreg:$0x4] =	wrdreg $0xC0  }
0xab: {  	_ =	task [dreg:s7], $0x5FFFF  }
0xac: {  	[dreg:$0x1] =	wrdreg $0xFFFFFFFF  }
0xad: {  	[dreg:$0x0] =	wrdreg $0x60  }
0xae: {  	[dreg:$0x2] =	wrdreg s24  }
0xaf: {  	[dreg:$0x3] =	wrdreg s2  }
0xb0: {  	[dreg:$0x4] =	wrdreg $0x9  }
0xb1: {  	_ =	task.clear_ibuf [dreg:s7], $0x5FFFF;
	_ =	strace $0x90000046  }
0xb2: {  	s29 =	simm.s32 $0x9;
	_ =	strace $0x80000048  }
0xb3: {  	_ =	swait.ge [sflag:s29], $0x1  }
0xb4: {  	[sflag:s29] =	ssyncadd.s32 $0xFFFFFFFF  }
0xb5: {  	_ =	strace $0x90000048  }
0xb6: {  	_ =	sfence  }
0xb7: {  	s30 =	sld [smem:$0x0];
	_ =	sdelay $0x2  }
0xb8: {  	s31 =	sshll.u32 s1, $0xD;
	s1 =	sshrl.u32 s1, $0x2  }
0xb9: {  	s3 =	sand.u32 $0x4000, s31;
	s1 =	sadd.s32 s1, s30  }
0xba: {  	s0 =	sor.u32 s3, s0;
	s1 =	sshll.u32 s1, $0x11  }
0xbb: {  	s0 =	sor.u32 s1, s0  }
0xbc: {  	s0 =	sadd.s32 $0x8F2B, s0  }
0xbd: {  	[sflag:s0] =	ssyncadd.remote.s32 $0x1  }
0xbe: {  	_ =	sfence.sel $0xFFFF  }
0xbf: {  	[dreg:$0x0] =	wrdreg $0xFFFFFFFF;
	(pc) =	sbr.abs _section_cstart, $3  }
0xc0: {  	[dreg:$0x1] =	wrdreg $0xFFFFFFFF  }
0xc1: {  	_ =	task.clear_ibuf [dreg:s7], $0x2FFFF;
	_ =	strace $0x9FFFFFFF  }
0xc2: {  	(tm) =	ssettm $0x7FFFFFFF  }
0xc3: {  	_ =	shalt  }
tec
execute0_lowered:
.L_overlay_start_1:
0x0: {  	(tag) =	ssettag $0x1  }
0x1: {  	s0 =	rddreg [dreg:$0x0]  }
0x2: {  	s1 =	rddreg [dreg:$0x1]  }
0x3: {  	s2 =	simm.s32 $0x0;
	s3 =	srdreg.scid;
	s7 =	stileid.u32  }
0x4: {  	s11 =	simm.s32 $0x4A00;
	s12 =	simm.s32 $0x5200;
	s14 =	simm.s32 $0x5A00  }
0x5: {  	s15 =	simm.s32 $0x6200;
	[smem:$0x7FF] =	sst s2;
	s6 =	sadd.s32 $0x800, s0  }
0x6: {  	s16 =	simm.s32 $0x6A00;
	_ =	strace $0x80000047;
	[dreg:$0x11] =	wrdreg s6  }
0x7: {  	s17 =	simm.s32 $0x7200;
	s18 =	simm.s32 $0x7A00;
	[dreg:$0x4] =	wrdreg s11  }
0x8: {  	s19 =	simm.s32 $0x8200;
	s20 =	simm.s32 $0x8A00;
	[dreg:$0x5] =	wrdreg s12  }
0x9: {  	s22 =	simm.s32 $0x9200;
	s23 =	simm.s32 $0x9A00;
	[dreg:$0x6] =	wrdreg s14  }
0xa: {  	s24 =	simm.s32 $0xA200;
	s25 =	simm.s32 $0xAA00;
	[dreg:$0x7] =	wrdreg s15  }
0xb: {  	s28 =	simm.s32 $0x12A00;
	s29 =	simm.s32 $0x13200;
	[dreg:$0x8] =	wrdreg s16  }
0xc: {  	s30 =	simm.s32 $0x13A00;
	s31 =	simm.s32 $0x1;
	[dreg:$0x9] =	wrdreg s17  }
0xd: {  	s4 =	sand.u32 $0x1, s3;
	s5 =	sshll.u32 s7, $0x11;
	[dreg:$0xa] =	wrdreg s18  }
0xe: {  	s3 =	sadd.s32 $0x1000, s0;
	s13 =	sshll.u32 s7, $0xA;
	[dreg:$0xb] =	wrdreg s19  }
0xf: {  	s7 =	sadd.s32 $0x1300, s0;
	s1 =	sadd.s32 s5, s1;
	[dreg:$0xc] =	wrdreg s20  }
0x10: {  	s8 =	sshll.u32 s4, $0x10;
	s9 =	ssub.s32 $0x2, s4;
	[dreg:$0xd] =	wrdreg s22  }
0x11: {  	s4 =	sshll.u32 s4, $0x9;
	s5 =	sadd.s32 $0x1100, s0;
	[dreg:$0xe] =	wrdreg s23  }
0x12: {  	s6 =	sadd.s32 $0x1200, s0;
	s11 =	simm.s32 $0x4200;
	[dreg:$0xf] =	wrdreg s24  }
0x13: {  	[dreg:$0x10] =	wrdreg s25;
	s12 =	simm.s32 $0xB200;
	s14 =	simm.s32 $0xC200  }
0x14: {  	s15 =	simm.s32 $0xCA00;
	s16 =	simm.s32 $0xD200;
	s17 =	simm.s32 $0xDA00  }
0x15: {  	s18 =	simm.s32 $0xE200;
	s19 =	simm.s32 $0xEA00;
	s20 =	simm.s32 $0xF200  }
0x16: {  	s22 =	simm.s32 $0x10200;
	s23 =	simm.s32 $0x10A00;
	s24 =	simm.s32 $0x11200  }
0x17: {  	s25 =	simm.s32 $0x11A00;
	s1 =	sadd.s32 s8, s1;
	s10 =	sshrl.u32 s9, $0x1  }
0x18: {  	s4 =	sor.u32 s4, s13;
	s13 =	simm.s32 $0xBA00;
	[dreg:$0x3] =	wrdreg s1  }
0x19: {  	v1 =	vlaneseq.u32;
	vm0 =	vmmov $0xffff;
	s8 =	ssub.s32 s9, s10;
	s26 =	sadd.s32 $0x200, s4;
	s9 =	simm.s32 $0x2  }
0x1a: {  	v3 =	vand.u32 $0x7, v1;
	v4 =	vshrl.u32 v1, $0x3;
	v5 =	vor.u32 $0x8, v1;
	s10 =	simm.s32 $0x4000;
	s1 =	simm.s32 $0x0;
	s21 =	smax.u32 s8, $0x1  }
0x1b: {  	v4 =	vmul.u32 $0x8, v4;
	v0 =	vmov s4;
	v2 =	vmov s26;
	s26 =	simm.s32 $0x12200;
	[dreg:$0x12] =	wrdreg s21;
	s21 =	simm.s32 $0xFA00  }
.LBB2_1:
0x1c: {  	[dreg:$0x13] =	wrdreg s1  }
0x1d: {  	s0 =	rddreg [dreg:$0x11]  }
0x1e: {  	[tilespmem:s2], [sflag:$0x2] =	stream.linear.gather [hbm4b:s0+s2], $0x4000, $0x38;
	[tilespmem:$0x14200] =	vst v63  }
0x1f: {  	_ =	swait.ge [sflag:s9], $0x4000  }
0x20: {  	[sflag:s9] =	ssyncset.done $0x0  }
0x21: {  	s1 =	simm.s32 $0x0;
	s4 =	simm.s32 $0x0;
	[sflag:s9] =	ssyncadd.s32 $0xFFFFC000  }
.LBB2_2:
0x22: {  	v6 =	vld [tilespmem:s1+$0x0];
	_ =	sdelay $0x4  }
0x23: {  	vm1 =	vge.s32 v6, v0;
	vm2 =	vlt.s32 v6, v2;
	v7 =	vsub.s32 v6, v0  }
0x24: {  	v6 =	vand.u32 $0x7F, v6;
	vm1 =	vmand vm1, vm2;
	v7 =	vand.u32 $0xFFFFFF80, v7  }
0x25: {  	p0 =	sne.s32 s4, $0x3FF0;
	v6 =	vor.u32 v6, v7  }
.Ltmp0:
0x26: {  	_ = 	snop;
	(pc) =	sbr.rel @p0 .LBB2_2-.Ltmp0, $3  }
0x27: {  	_ =	sdelay $0x1  }
0x28: {  	v7 =	vor.u32 s4, v1  }
0x29: {  	s1 =	sadd.s32 $0x10, s1;
	s4 =	sadd.s32 $0x10, s4;
	[tilespmem:v6+s10+$0x0] =	vst.idx.msk vm1, v7  }
0x2a: {  	s1 =	simm.s32 $0x0;
	s4 =	simm.s32 $0x4020  }
.LBB2_4:
0x2b: {  	v6 =	vld [tilespmem:s4+$0xFFFFFFE0];
	_ =	sdelay $0x4  }
0x2c: {  	v7 =	vshll.u32 v6, $0x3  }
0x2d: {  	v6 =	vand.u32 $0x7, v6;
	v7 =	vand.u32 $0xFFFFFFC0, v7  }
0x2e: {  	v6 =	vor.u32 v6, v7  }
0x2f: {  	v7 =	vperm.xlane v6, v3;
	_ =	sdelay $0x1  }
0x30: {  	v7 =	vadd.s32 v4, v7;
	_ =	sdelay $0x4  }
0x31: {  	[tilespmem:s11], [sflag:$0x1] =	stream.indirect_vreg.gather [hbm4b:s3+s2], $0x80, v7, vm0, $0xb8;
	[tilespmem:$0x14200] =	vst v63  }
0x32: {  	s8 =	rddreg [dreg:$0x4];
	v6 =	vperm.xlane v6, v5  }
0x33: {  	[tilespmem:s8], [sflag:$0x1] =	stream.indirect_vreg.gather [hbm4b:s5+s2], $0x80, v7, vm0, $0xb8;
	[tilespmem:$0x14200] =	vst v63  }
0x34: {  	s0 =	rddreg [dreg:$0x5];
	v6 =	vadd.s32 v4, v6  }
0x35: {  	[tilespmem:s0], [sflag:$0x1] =	stream.indirect_vreg.gather [hbm4b:s6+s2], $0x80, v7, vm0, $0xb8;
	[tilespmem:$0x14200] =	vst v63  }
0x36: {  	s8 =	rddreg [dreg:$0x6]  }
0x37: {  	[tilespmem:s8], [sflag:$0x1] =	stream.indirect_vreg.gather [hbm4b:s7+s2], $0x80, v7, vm0, $0xb8;
	[tilespmem:$0x14200] =	vst v63  }
0x38: {  	s0 =	rddreg [dreg:$0x7]  }
0x39: {  	[tilespmem:s0], [sflag:$0x1] =	stream.indirect_vreg.gather [hbm4b:s3+s2], $0x80, v6, vm0, $0xb8;
	[tilespmem:$0x14200] =	vst v63  }
0x3a: {  	s8 =	rddreg [dreg:$0x8]  }
0x3b: {  	[tilespmem:s8], [sflag:$0x1] =	stream.indirect_vreg.gather [hbm4b:s5+s2], $0x80, v6, vm0, $0xb8;
	[tilespmem:$0x14200] =	vst v63  }
0x3c: {  	s0 =	rddreg [dreg:$0x9]  }
0x3d: {  	[tilespmem:s0], [sflag:$0x1] =	stream.indirect_vreg.gather [hbm4b:s6+s2], $0x80, v6, vm0, $0xb8;
	[tilespmem:$0x14200] =	vst v63  }
0x3e: {  	s8 =	rddreg [dreg:$0xa]  }
0x3f: {  	[tilespmem:s8], [sflag:$0x1] =	stream.indirect_vreg.gather [hbm4b:s7+s2], $0x80, v6, vm0, $0xb8;
	[tilespmem:$0x14200] =	vst v63  }
0x40: {  	v6 =	vld [tilespmem:s4+$0xFFFFFFF0];
	_ =	sdelay $0x4  }
0x41: {  	v7 =	vshll.u32 v6, $0x3  }
0x42: {  	v6 =	vand.u32 $0x7, v6;
	v7 =	vand.u32 $0xFFFFFFC0, v7  }
0x43: {  	v6 =	vor.u32 v6, v7  }
0x44: {  	v7 =	vperm.xlane v6, v3;
	_ =	sdelay $0x1  }
0x45: {  	v7 =	vadd.s32 v4, v7;
	_ =	sdelay $0x3  }
0x46: {  	s0 =	rddreg [dreg:$0xb]  }
0x47: {  	[tilespmem:s0], [sflag:$0x1] =	stream.indirect_vreg.gather [hbm4b:s3+s2], $0x80, v7, vm0, $0xb8;
	[tilespmem:$0x14200] =	vst v63  }
0x48: {  	s8 =	rddreg [dreg:$0xc];
	v6 =	vperm.xlane v6, v5  }
0x49: {  	[tilespmem:s8], [sflag:$0x1] =	stream.indirect_vreg.gather [hbm4b:s5+s2], $0x80, v7, vm0, $0xb8;
	[tilespmem:$0x14200] =	vst v63  }
0x4a: {  	v6 =	vadd.s32 v4, v6;
	s0 =	rddreg [dreg:$0xd]  }
0x4b: {  	[tilespmem:s0], [sflag:$0x1] =	stream.indirect_vreg.gather [hbm4b:s6+s2], $0x80, v7, vm0, $0xb8;
	[tilespmem:$0x14200] =	vst v63  }
0x4c: {  	s8 =	rddreg [dreg:$0xe]  }
0x4d: {  	[tilespmem:s8], [sflag:$0x1] =	stream.indirect_vreg.gather [hbm4b:s7+s2], $0x80, v7, vm0, $0xb8;
	[tilespmem:$0x14200] =	vst v63  }
0x4e: {  	s0 =	rddreg [dreg:$0xf]  }
0x4f: {  	[tilespmem:s0], [sflag:$0x1] =	stream.indirect_vreg.gather [hbm4b:s3+s2], $0x80, v6, vm0, $0xb8;
	[tilespmem:$0x14200] =	vst v63  }
0x50: {  	s8 =	rddreg [dreg:$0x10]  }
0x51: {  	[tilespmem:s8], [sflag:$0x1] =	stream.indirect_vreg.gather [hbm4b:s5+s2], $0x80, v6, vm0, $0xb8;
	[tilespmem:$0x14200] =	vst v63  }
0x52: {  	_ = 	snop  }
0x53: {  	[tilespmem:s12], [sflag:$0x1] =	stream.indirect_vreg.gather [hbm4b:s6+s2], $0x80, v6, vm0, $0xb8;
	[tilespmem:$0x14200] =	vst v63  }
0x54: {  	_ = 	snop  }
0x55: {  	[tilespmem:s13], [sflag:$0x1] =	stream.indirect_vreg.gather [hbm4b:s7+s2], $0x80, v6, vm0, $0xb8;
	[tilespmem:$0x14200] =	vst v63  }
0x56: {  	v6 =	vld [tilespmem:s4+$0x0];
	_ =	sdelay $0x4  }
0x57: {  	v7 =	vshll.u32 v6, $0x3  }
0x58: {  	v6 =	vand.u32 $0x7, v6;
	v7 =	vand.u32 $0xFFFFFFC0, v7  }
0x59: {  	v6 =	vor.u32 v6, v7  }
0x5a: {  	v7 =	vperm.xlane v6, v3;
	_ =	sdelay $0x1  }
0x5b: {  	v7 =	vadd.s32 v4, v7;
	_ =	sdelay $0x4  }
0x5c: {  	[tilespmem:s14], [sflag:$0x1] =	stream.indirect_vreg.gather [hbm4b:s3+s2], $0x80, v7, vm0, $0xb8;
	[tilespmem:$0x14200] =	vst v63  }
0x5d: {  	v6 =	vperm.xlane v6, v5  }
0x5e: {  	[tilespmem:s15], [sflag:$0x1] =	stream.indirect_vreg.gather [hbm4b:s5+s2], $0x80, v7, vm0, $0xb8;
	[tilespmem:$0x14200] =	vst v63  }
0x5f: {  	v6 =	vadd.s32 v4, v6  }
0x60: {  	[tilespmem:s16], [sflag:$0x1] =	stream.indirect_vreg.gather [hbm4b:s6+s2], $0x80, v7, vm0, $0xb8;
	[tilespmem:$0x14200] =	vst v63  }
0x61: {  	_ = 	snop  }
0x62: {  	[tilespmem:s17], [sflag:$0x1] =	stream.indirect_vreg.gather [hbm4b:s7+s2], $0x80, v7, vm0, $0xb8;
	[tilespmem:$0x14200] =	vst v63  }
0x63: {  	_ = 	snop  }
0x64: {  	[tilespmem:s18], [sflag:$0x1] =	stream.indirect_vreg.gather [hbm4b:s3+s2], $0x80, v6, vm0, $0xb8;
	[tilespmem:$0x14200] =	vst v63  }
0x65: {  	_ = 	snop  }
0x66: {  	[tilespmem:s19], [sflag:$0x1] =	stream.indirect_vreg.gather [hbm4b:s5+s2], $0x80, v6, vm0, $0xb8;
	[tilespmem:$0x14200] =	vst v63  }
0x67: {  	_ = 	snop  }
0x68: {  	[tilespmem:s20], [sflag:$0x1] =	stream.indirect_vreg.gather [hbm4b:s6+s2], $0x80, v6, vm0, $0xb8;
	[tilespmem:$0x14200] =	vst v63  }
0x69: {  	_ = 	snop  }
0x6a: {  	[tilespmem:s21], [sflag:$0x1] =	stream.indirect_vreg.gather [hbm4b:s7+s2], $0x80, v6, vm0, $0xb8;
	[tilespmem:$0x14200] =	vst v63  }
0x6b: {  	v6 =	vld [tilespmem:s4+$0x10];
	_ =	sdelay $0x4  }
0x6c: {  	v7 =	vshll.u32 v6, $0x3  }
0x6d: {  	v6 =	vand.u32 $0x7, v6;
	v7 =	vand.u32 $0xFFFFFFC0, v7  }
0x6e: {  	v6 =	vor.u32 v6, v7  }
0x6f: {  	v7 =	vperm.xlane v6, v3;
	_ =	sdelay $0x1  }
0x70: {  	v7 =	vadd.s32 v4, v7;
	_ =	sdelay $0x4  }
0x71: {  	[tilespmem:s22], [sflag:$0x1] =	stream.indirect_vreg.gather [hbm4b:s3+s2], $0x80, v7, vm0, $0xb8;
	[tilespmem:$0x14200] =	vst v63  }
0x72: {  	v6 =	vperm.xlane v6, v5  }
0x73: {  	[tilespmem:s23], [sflag:$0x1] =	stream.indirect_vreg.gather [hbm4b:s5+s2], $0x80, v7, vm0, $0xb8;
	[tilespmem:$0x14200] =	vst v63  }
0x74: {  	v6 =	vadd.s32 v4, v6  }
0x75: {  	[tilespmem:s24], [sflag:$0x1] =	stream.indirect_vreg.gather [hbm4b:s6+s2], $0x80, v7, vm0, $0xb8;
	[tilespmem:$0x14200] =	vst v63  }
0x76: {  	_ = 	snop  }
0x77: {  	[tilespmem:s25], [sflag:$0x1] =	stream.indirect_vreg.gather [hbm4b:s7+s2], $0x80, v7, vm0, $0xb8;
	[tilespmem:$0x14200] =	vst v63  }
0x78: {  	_ = 	snop  }
0x79: {  	[tilespmem:s26], [sflag:$0x1] =	stream.indirect_vreg.gather [hbm4b:s3+s2], $0x80, v6, vm0, $0xb8;
	[tilespmem:$0x14200] =	vst v63  }
0x7a: {  	_ = 	snop  }
0x7b: {  	[tilespmem:s28], [sflag:$0x1] =	stream.indirect_vreg.gather [hbm4b:s5+s2], $0x80, v6, vm0, $0xb8;
	[tilespmem:$0x14200] =	vst v63  }
0x7c: {  	_ = 	snop  }
0x7d: {  	[tilespmem:s29], [sflag:$0x1] =	stream.indirect_vreg.gather [hbm4b:s6+s2], $0x80, v6, vm0, $0xb8;
	[tilespmem:$0x14200] =	vst v63  }
0x7e: {  	_ = 	snop  }
0x7f: {  	[tilespmem:s30], [sflag:$0x1] =	stream.indirect_vreg.gather [hbm4b:s7+s2], $0x80, v6, vm0, $0xb8;
	[tilespmem:$0x14200] =	vst v63  }
0x80: {  	_ =	swait.ge [sflag:s31], $0x10000  }
0x81: {  	p0 =	sne.s32 s1, $0xE000;
	s8 =	rddreg [dreg:$0x3];
	[sflag:s31] =	ssyncset.done $0x0  }
.Ltmp1:
0x82: {  	[sflag:s31] =	ssyncadd.s32 $0xFFFF0000;
	s0 =	sadd.s32 s1, s8;
	(pc) =	sbr.rel @p0 .LBB2_4-.Ltmp1, $4  }
0x83: {  	[hbm4b:s0+s2] =	stream.linear.scatter [tilespmem:s11], [sflag:$0x2], $0x10000, $0x38;
	[tilespmem:$0x14200] =	vst v63  }
0x84: {  	_ =	swait.ge [sflag:s9], $0x10000  }
0x85: {  	[sflag:s9] =	ssyncset.done $0x0  }
0x86: {  	s4 =	sadd.s32 $0x40, s4;
	s1 =	sadd.s32 $0x2000, s1;
	[sflag:s9] =	ssyncadd.s32 $0xFFFF0000  }
0x87: {  	s1 =	rddreg [dreg:$0x13]  }
0x88: {  	s0 =	rddreg [dreg:$0x12];
	s1 =	sadd.s32 $0x1, s1  }
0x89: {  	p0 =	sne.s32 s1, s0  }
.Ltmp2:
0x8a: {  	_ = 	snop;
	(pc) =	sbr.rel @p0 .LBB2_1-.Ltmp2, $1  }
0x8b: {  	_ =	sdelay $0x3  }
0x8c: {  	_ =	sfence.sel $0x180000  }
0x8d: {  	[bflag:$0x0] =	sbarrier.arrive $0xFFFF  }
0x8e: {  	_ =	strace $0x90000047  }
0x8f: {  	s0 =	stileid.u32;
	[bflag:$0x2] =	sbarrier.arrive $0xFFFF  }
0x90: {  	p0 =	sne.s32 s0, $0x0;
	s0 =	rddreg [dreg:$0x2]  }
0x91: {  	s0 =	sadd.s32 @!p0 $0x100000, s0  }
0x92: {  	[sflag:s0] =	ssyncadd.tile.s32 @!p0 $0x1;
	_ =	shalt  }
.Lfunc_end2:
_tile_overlayer_lowered:
.L_overlay_start_2:
0x93: {  	(tag) =	ssettag $0x2  }
0x94: {  	s0 =	rddreg [dreg:$0x0];
	s2 =	stileid.u32  }
0x95: {  	s1 =	rddreg [dreg:$0x1];
	p0 =	sne.s32 s2, $0x0  }
0x96: {  	s3 =	rddreg [dreg:$0x2];
	[bflag:$0x3] =	sbarrier.arrive $0xFFFF;
	s2 =	simm.s32 @!p0 $0x1C02  }
0x97: {  	[timem:s3], [sflag:s2] =	dma.local @!p0 [hbm:s0], s1  }
0x98: {  	s0 =	simm.s32 @!p0 $0x2  }
0x99: {  	_ =	swait.ge @!p0 [sflag:s0], s1  }
0x9a: {  	s1 =	ssub.s32 @!p0 $0x0, s1;
	[sflag:s0] =	ssyncset.done @!p0 $0x0  }
0x9b: {  	[sflag:s0] =	ssyncadd.s32 @!p0 s1  }
0x9c: {  	[bflag:$0x3] =	sbarrier.arrive $0xFFFF  }
0x9d: {  	_ =	shalt  }

</sc_bundles>
